<compile_context>
chip_gen: v7x
topology: tpu7x:2x2x1
jax: 0.10.2.dev20260603
libtpu: 0.0.44.dev20260713+nightly
codegen_flags: <defaults>
</compile_context>

<pallas_src>
import jax
import jax.numpy as jnp
from jax import lax
from jax.experimental import pallas as pl
from jax.experimental.pallas import tpu as pltpu
from jax.experimental.pallas import tpu_sc as plsc

N = 10000
E = 320000
F_IN = 128
H = 256
HH = 128
C_OUT = 40
NT = 16
CH = 128
BI = 20
NBLK = 8
EPT = CH * BI * NBLK
EP = EPT * NT
NP = 10240
RPT = NP // NT
NCHT = EPT // CH
EPS = 1e-5



def _agg_body(h_hbm, src_hbm, dst_hbm, out_hbm,
              isrc0, isrc1, idst0, idst1, buf0, buf1, acc,
              g0, g1, g0b, g1b, p0, p1):
    c = lax.axis_index("c")
    s = lax.axis_index("s")

    zv = jnp.zeros((16,), jnp.float32)

    def _z(r, _):
        for k in range(HH // 16):
            buf0[r, pl.ds(k * 16, 16)] = zv
        return 0

    lax.fori_loop(0, CH, _z, 0)
    for k in range(RPT // CH):
        pltpu.sync_copy(buf0, acc.at[pl.ds(s * RPT + k * CH, CH)])
    plsc.subcore_barrier()

    off = c * NP

    def _rebase(A):
        def _rb(i, _):
            r = i // (CH // 16)
            k = lax.rem(i, CH // 16) * 16
            A[r, pl.ds(k, 16)] = A[r, pl.ds(k, 16)] + off
            return 0
        lax.fori_loop(0, BI * (CH // 16), _rb, 0)

    def _do_block(A, B, A2, B2, i):
        if i > 0:
            pltpu.make_async_copy(src_hbm.at[s, i], A, p0).wait()
            pltpu.make_async_copy(dst_hbm.at[s, i], B, p1).wait()
            _rebase(A)
        if i + 1 < NBLK:
            pltpu.async_copy(src_hbm.at[s, i + 1], A2, p0)
            pltpu.async_copy(dst_hbm.at[s, i + 1], B2, p1)

        def _gather(j, bf, sa, sb):
            pltpu.async_copy(h_hbm.at[A.at[j, pl.ds(0, CH // 2)]],
                             bf.at[pl.ds(0, CH // 2)], sa)
            pltpu.async_copy(h_hbm.at[A.at[j, pl.ds(CH // 2, CH // 2)]],
                             bf.at[pl.ds(CH // 2, CH // 2)], sb)

        def _gwait(j, bf, sa, sb):
            pltpu.make_async_copy(h_hbm.at[A.at[j, pl.ds(0, CH // 2)]],
                                  bf.at[pl.ds(0, CH // 2)], sa).wait()
            pltpu.make_async_copy(h_hbm.at[A.at[j, pl.ds(CH // 2, CH // 2)]],
                                  bf.at[pl.ds(CH // 2, CH // 2)], sb).wait()

        _gather(0, buf0, g0, g0b)

        def _pair(t, _):
            j0 = 2 * t
            j1 = j0 + 1
            _gwait(j0, buf0, g0, g0b)
            _gather(j1, buf1, g1, g1b)
            pltpu.sync_copy(buf0, acc.at[B.at[j0]], add=True)
            _gwait(j1, buf1, g1, g1b)

            @pl.when(t + 1 < BI // 2)
            def _():
                _gather(j0 + 2, buf0, g0, g0b)

            pltpu.sync_copy(buf1, acc.at[B.at[j1]], add=True)
            return 0

        lax.fori_loop(0, BI // 2, _pair, 0)

    pltpu.sync_copy(src_hbm.at[s, 0], isrc0)
    pltpu.sync_copy(dst_hbm.at[s, 0], idst0)
    _rebase(isrc0)
    for i in range(NBLK):
        if i % 2 == 0:
            _do_block(isrc0, idst0, isrc1, idst1, i)
        else:
            _do_block(isrc1, idst1, isrc0, idst0, i)
    plsc.subcore_barrier()

    base = s * RPT
    for k in range(RPT // CH):
        pltpu.sync_copy(acc.at[pl.ds(base + k * CH, CH)],
                        out_hbm.at[pl.ds(c * NP + base + k * CH, CH)])


@jax.jit
def _agg_call(h_split, src_both, dst):
    mesh = plsc.VectorSubcoreMesh(core_axis_name="c", subcore_axis_name="s")
    return pl.kernel(
        _agg_body,
        out_type=jax.ShapeDtypeStruct((2 * NP, HH), jnp.float32),
        mesh=mesh,
        scratch_types=[
            pltpu.VMEM((BI, CH), jnp.int32),
            pltpu.VMEM((BI, CH), jnp.int32),
            pltpu.VMEM((BI, CH), jnp.int32),
            pltpu.VMEM((BI, CH), jnp.int32),
            pltpu.VMEM((CH, HH), jnp.float32),
            pltpu.VMEM((CH, HH), jnp.float32),
            pltpu.VMEM_SHARED((NP, HH), jnp.float32),
            pltpu.SemaphoreType.DMA,
            pltpu.SemaphoreType.DMA,
            pltpu.SemaphoreType.DMA,
            pltpu.SemaphoreType.DMA,
            pltpu.SemaphoreType.DMA,
            pltpu.SemaphoreType.DMA,
        ],
    )(h_split, src_both, dst)



def _cnt_body(dst_hbm, out_hbm, idx_d, ones_v, zb, cnt_acc):
    c = lax.axis_index("c")
    s = lax.axis_index("s")

    pltpu.sync_copy(dst_hbm.at[s], idx_d)

    ov = jnp.ones((16,), jnp.float32)
    for k in range(CH // 16):
        ones_v[pl.ds(k * 16, 16)] = ov

    zv = jnp.zeros((16,), jnp.float32)

    @pl.when(s == 0)
    def _():
        def _z(i, _):
            zb[pl.ds(i * 16, 16)] = zv
            return 0
        lax.fori_loop(0, NP // 16, _z, 0)
        pltpu.sync_copy(zb, cnt_acc)

    plsc.subcore_barrier()

    def _count(j, _):
        pltpu.sync_copy(ones_v, cnt_acc.at[idx_d.at[j]], add=True)
        return 0

    lax.fori_loop(0, NCHT, _count, 0)
    plsc.subcore_barrier()

    @pl.when(s == 0)
    def _():
        pltpu.sync_copy(cnt_acc.at[pl.ds(c * (N // 2), N // 2)],
                        zb.at[pl.ds(0, N // 2)])
        pltpu.sync_copy(zb.at[pl.ds(0, N // 2)],
                        out_hbm.at[pl.ds(c * (N // 2), N // 2)])


@jax.jit
def _cnt_call(dst):
    mesh = plsc.VectorSubcoreMesh(core_axis_name="c", subcore_axis_name="s")
    return pl.kernel(
        _cnt_body,
        out_type=jax.ShapeDtypeStruct((N,), jnp.float32),
        mesh=mesh,
        scratch_types=[
            pltpu.VMEM((NCHT, CH), jnp.int32),
            pltpu.VMEM((CH,), jnp.float32),
            pltpu.VMEM((NP,), jnp.float32),
            pltpu.VMEM_SHARED((NP,), jnp.float32),
        ],
    )(dst)



def _bn_relu(t, g, b):
    mu = jnp.mean(t, axis=0, keepdims=True)
    var = jnp.mean((t - mu) ** 2, axis=0, keepdims=True)
    y = (t - mu) * lax.rsqrt(var + EPS) * g + b
    return jnp.maximum(y, 0.0)


def _split_store(out_ref, y):
    out_ref[pl.ds(0, N), :] = y[:, :HH]
    out_ref[pl.ds(NP, N), :] = y[:, HH:]


def _dot16(a, w):
    return jnp.dot(a.astype(jnp.bfloat16), w.astype(jnp.bfloat16),
                   preferred_element_type=jnp.float32)


def _pre_body(x_ref, w_ref, b_ref, g_ref, bb_ref, out_ref):
    h = _dot16(x_ref[...], w_ref[...])
    y = _bn_relu(h + b_ref[...], g_ref[...], bb_ref[...])
    _split_store(out_ref, y)


def _sage_tail(ms_ref, cnt_ref, h_ref, wl_ref, bl_ref, wr_ref):
    inv = 1.0 / jnp.maximum(cnt_ref[...], 1.0)
    m0 = ms_ref[pl.ds(0, N), :] * inv
    m1 = ms_ref[pl.ds(NP, N), :] * inv
    h0 = h_ref[pl.ds(0, N), :]
    h1 = h_ref[pl.ds(NP, N), :]
    t = (_dot16(m0, wl_ref[pl.ds(0, HH), :])
         + _dot16(m1, wl_ref[pl.ds(HH, HH), :])
         + _dot16(h0, wr_ref[pl.ds(0, HH), :])
         + _dot16(h1, wr_ref[pl.ds(HH, HH), :]))
    return t + bl_ref[...]


def _mid_body(ms_ref, cnt_ref, h_ref, wl_ref, bl_ref, wr_ref, g_ref, bb_ref,
              out_ref):
    t = _sage_tail(ms_ref, cnt_ref, h_ref, wl_ref, bl_ref, wr_ref)
    y = _bn_relu(t, g_ref[...], bb_ref[...])
    _split_store(out_ref, y)


def _post_body(ms_ref, cnt_ref, h_ref, wl_ref, bl_ref, wr_ref, g4_ref, b4_ref,
               wp1_ref, bp1_ref, g5_ref, b5_ref, wp2_ref, bp2_ref, out_ref):
    t = _sage_tail(ms_ref, cnt_ref, h_ref, wl_ref, bl_ref, wr_ref)
    y = _bn_relu(t, g4_ref[...], b4_ref[...])
    u = _dot16(y, wp1_ref[...]) + bp1_ref[...]
    y5 = _bn_relu(u, g5_ref[...], b5_ref[...])
    z = _dot16(y5, wp2_ref[...]) + bp2_ref[...]
    zm = jnp.max(z, axis=1, keepdims=True)
    lse = jnp.log(jnp.sum(jnp.exp(z - zm), axis=1, keepdims=True)) + zm
    out_ref[...] = z - lse


def _tc_call(body, out_shape, *args):
    return pl.pallas_call(
        body, out_shape=jax.ShapeDtypeStruct(out_shape, jnp.float32))(*args)



def _pad_edges(edge_index):
    npad = EP - E
    pad_src = jnp.arange(npad, dtype=jnp.int32) % N
    pad_dst = N + jnp.arange(npad, dtype=jnp.int32) % (NP - N)
    src = jnp.concatenate([edge_index[0], pad_src])
    dst = jnp.concatenate([edge_index[1], pad_dst])
    return src.reshape(NT, NBLK, BI, CH), dst.reshape(NT, NBLK, BI, CH)


def kernel(x, edge_index, W_pre, b_pre, bn1_g, bn1_b, W1l, b1l, W1r,
           bn2_g, bn2_b, W2l, b2l, W2r, bn3_g, bn3_b, W3l, b3l, W3r,
           bn4_g, bn4_b, W_post1, b_post1, bn5_g, bn5_b, W_post2, b_post2):
    src_both, dst = _pad_edges(edge_index)

    cnt = _cnt_call(dst.reshape(NT, NCHT, CH)).reshape(N, 1)

    r2 = lambda v: v.reshape(1, -1)
    h = _tc_call(_pre_body, (2 * NP, HH),
                 x, W_pre.T, r2(b_pre), r2(bn1_g), r2(bn1_b))

    ms = _agg_call(h, src_both, dst)
    h = _tc_call(_mid_body, (2 * NP, HH),
                 ms, cnt, h, W1l.T, r2(b1l), W1r.T, r2(bn2_g), r2(bn2_b))

    ms = _agg_call(h, src_both, dst)
    h = _tc_call(_mid_body, (2 * NP, HH),
                 ms, cnt, h, W2l.T, r2(b2l), W2r.T, r2(bn3_g), r2(bn3_b))

    ms = _agg_call(h, src_both, dst)
    out = _tc_call(_post_body, (N, C_OUT),
                   ms, cnt, h, W3l.T, r2(b3l), W3r.T, r2(bn4_g), r2(bn4_b),
                   W_post1.T, r2(b_post1), r2(bn5_g), r2(bn5_b),
                   W_post2.T, r2(b_post2))
    return out

# --- scband reference (transcript-rebuilt; emitter-appended) ---
"""Pipeline reference for scband-aaf-graph-sage-conv-32804960207312 (READ-ONLY COPY).

The authoritative reference and input builder live on the scoring server;
editing this copy changes nothing except your own understanding.
"""

import jax, jax.numpy as jnp
import numpy as np

N = 10000
E = 320000
F_IN = 128
H = 256
C = 40


def setup_inputs(seed: int = 0) -> dict:
    key = jax.random.key(seed)
    ks = jax.random.split(key, 16)

    def w(k, shape, s=0.05):
        return jax.random.normal(k, shape, dtype=jnp.float32) * s

    inp = {}
    inp["x"] = jax.random.normal(ks[0], (N, F_IN), dtype=jnp.float32)
    inp["edge_index"] = jax.random.randint(ks[1], (2, E), 0, N, dtype=jnp.int32)
    inp["W_pre"] = w(ks[2], (H, F_IN)); inp["b_pre"] = jnp.zeros((H,), jnp.float32)
    inp["bn1_g"] = jnp.ones((H,), jnp.float32); inp["bn1_b"] = jnp.zeros((H,), jnp.float32)
    inp["W1l"] = w(ks[3], (H, H)); inp["b1l"] = jnp.zeros((H,), jnp.float32); inp["W1r"] = w(ks[4], (H, H))
    inp["bn2_g"] = jnp.ones((H,), jnp.float32); inp["bn2_b"] = jnp.zeros((H,), jnp.float32)
    inp["W2l"] = w(ks[5], (H, H)); inp["b2l"] = jnp.zeros((H,), jnp.float32); inp["W2r"] = w(ks[6], (H, H))
    inp["bn3_g"] = jnp.ones((H,), jnp.float32); inp["bn3_b"] = jnp.zeros((H,), jnp.float32)
    inp["W3l"] = w(ks[7], (H, H)); inp["b3l"] = jnp.zeros((H,), jnp.float32); inp["W3r"] = w(ks[8], (H, H))
    inp["bn4_g"] = jnp.ones((H,), jnp.float32); inp["bn4_b"] = jnp.zeros((H,), jnp.float32)
    inp["W_post1"] = w(ks[9], (H, H)); inp["b_post1"] = jnp.zeros((H,), jnp.float32)
    inp["bn5_g"] = jnp.ones((H,), jnp.float32); inp["bn5_b"] = jnp.zeros((H,), jnp.float32)
    inp["W_post2"] = w(ks[10], (C, H)); inp["b_post2"] = jnp.zeros((C,), jnp.float32)
    return inp


def _bn(x, g, b):
    mu = jnp.mean(x, axis=0, keepdims=True)
    var = jnp.mean((x - mu) ** 2, axis=0, keepdims=True)
    return (x - mu) / jnp.sqrt(var + 1e-5) * g + b


def _sage(x, src, dst, Wl, bl, Wr):
    msg = x[src]
    s = jax.ops.segment_sum(msg, dst, num_segments=N)
    cnt = jax.ops.segment_sum(jnp.ones((src.shape[0], 1), jnp.float32), dst, num_segments=N)
    mean = s / jnp.maximum(cnt, 1.0)
    return mean @ Wl.T + bl + x @ Wr.T


def reference(x, edge_index, W_pre, b_pre, bn1_g, bn1_b, W1l, b1l, W1r, bn2_g, bn2_b, W2l, b2l, W2r, bn3_g, bn3_b, W3l, b3l, W3r, bn4_g, bn4_b, W_post1, b_post1, bn5_g, bn5_b, W_post2, b_post2):
    src = edge_index[0]
    dst = edge_index[1]
    h = x @ W_pre.T + b_pre
    h = jax.nn.relu(_bn(h, bn1_g, bn1_b))
    h = _sage(h, src, dst, W1l, b1l, W1r)
    h = jax.nn.relu(_bn(h, bn2_g, bn2_b))
    h = _sage(h, src, dst, W2l, b2l, W2r)
    h = jax.nn.relu(_bn(h, bn3_g, bn3_b))
    h = _sage(h, src, dst, W3l, b3l, W3r)
    h = jax.nn.relu(_bn(h, bn4_g, bn4_b))
    h = h @ W_post1.T + b_post1
    h = jax.nn.relu(_bn(h, bn5_g, bn5_b))
    h = h @ W_post2.T + b_post2
    return jax.nn.log_softmax(h, axis=1)

if __name__ == "__main__":
    import jax
    _d = setup_inputs()
    print(jax.jit(kernel)(*tuple(_d.values())))

</pallas_src>

<mosaic_0001>
#map = affine_map<(d0, d1) -> (0, 0, 0)>
#map1 = affine_map<(d0, d1) -> (0)>
module attributes {stable_mosaic.version = 14 : i64} {
  func.func @_cnt_body(%arg0: i32, %arg1: i32, %arg2: memref<16x160x128xi32, #tpu.memory_space<hbm>>, %arg3: memref<10000xf32, #tpu.memory_space<hbm>>, %arg4: memref<160x128xi32, #tpu.memory_space<vmem>>, %arg5: memref<128xf32, #tpu.memory_space<vmem>>, %arg6: memref<10240xf32, #tpu.memory_space<vmem>>, %arg7: memref<10240xf32, #tpu.memory_space<vmem_shared>>) attributes {dimension_semantics = [#tpu.dimension_semantics<core_parallel>, #tpu.dimension_semantics<subcore_parallel>], iteration_bounds = array<i64: 2, 16>, scalar_prefetch = 0 : i64, scratch_operands = 4 : i64, tpu.core_type = #tpu.core_type<sc_vector_subcore>, window_params = [{transform_indices = #map}, {transform_indices = #map1}]} {
    "tpu.region"() ({
      %run_scoped3A = tpu.sem_alloc : memref<!tpu.dma_semaphore, #tpu.memory_space<semaphore_mem>>
      %dma_start3A = arith.constant 0 : i32
      %dma_start3A_48 = arith.constant 0 : i32
      %dma_start3A_49 = tpu.memref_slice %arg2[%arg1, %dma_start3A, %dma_start3A_48] : memref<16x160x128xi32, #tpu.memory_space<hbm>> -> memref<1x160x128xi32, #tpu.memory_space<hbm>>
      %dma_start3A_50 = tpu.memref_squeeze %dma_start3A_49 : memref<1x160x128xi32, #tpu.memory_space<hbm>> -> memref<160x128xi32, #tpu.memory_space<hbm>>
      %dma_start3A_51 = arith.constant 0 : i32
      %dma_start3A_52 = arith.constant 0 : i32
      %dma_start3A_53 = tpu.memref_slice %arg2[%arg1, %dma_start3A_51, %dma_start3A_52] : memref<16x160x128xi32, #tpu.memory_space<hbm>> -> memref<1x160x128xi32, #tpu.memory_space<hbm>>
      %dma_start3A_54 = tpu.memref_squeeze %dma_start3A_53 : memref<1x160x128xi32, #tpu.memory_space<hbm>> -> memref<160x128xi32, #tpu.memory_space<hbm>>
      tpu.enqueue_dma source(%dma_start3A_54 : memref<160x128xi32, #tpu.memory_space<hbm>>) target(%arg4 : memref<160x128xi32, #tpu.memory_space<vmem>>) target_semaphore(%run_scoped3A : memref<!tpu.dma_semaphore, #tpu.memory_space<semaphore_mem>>)
      %dma_wait3A = arith.constant 0 : i32
      %dma_wait3A_55 = arith.constant 0 : i32
      %dma_wait3A_56 = tpu.memref_slice %arg2[%arg1, %dma_wait3A, %dma_wait3A_55] : memref<16x160x128xi32, #tpu.memory_space<hbm>> -> memref<1x160x128xi32, #tpu.memory_space<hbm>>
      %dma_wait3A_57 = tpu.memref_squeeze %dma_wait3A_56 : memref<1x160x128xi32, #tpu.memory_space<hbm>> -> memref<160x128xi32, #tpu.memory_space<hbm>>
      %dma_wait3A_58 = arith.constant 0 : i32
      %dma_wait3A_59 = arith.constant 0 : i32
      %dma_wait3A_60 = tpu.memref_slice %arg2[%arg1, %dma_wait3A_58, %dma_wait3A_59] : memref<16x160x128xi32, #tpu.memory_space<hbm>> -> memref<1x160x128xi32, #tpu.memory_space<hbm>>
      %dma_wait3A_61 = tpu.memref_squeeze %dma_wait3A_60 : memref<1x160x128xi32, #tpu.memory_space<hbm>> -> memref<160x128xi32, #tpu.memory_space<hbm>>
      tpu.wait_dma2 semaphore(%run_scoped3A : memref<!tpu.dma_semaphore, #tpu.memory_space<semaphore_mem>>) src(%dma_wait3A_61 : memref<160x128xi32, #tpu.memory_space<hbm>>) dst(%arg4 : memref<160x128xi32, #tpu.memory_space<vmem>>)
      tpu.yield
    }) : () -> ()
    %broadcast_in_dim3A = arith.constant 1.000000e+00 : f32
    %broadcast_in_dim3A_0 = vector.broadcast %broadcast_in_dim3A : f32 to vector<16xf32>
    %swap3A = arith.constant 0 : index
    %swap3A_1 = tpu.vector_load %arg5[%swap3A] {strides = array<i32>} : memref<128xf32, #tpu.memory_space<vmem>>, vector<16xf32>,
    %swap3A_2 = vector.shape_cast %swap3A_1 : vector<16xf32> to vector<16xf32>
    %swap3A_3 = vector.shape_cast %broadcast_in_dim3A_0 : vector<16xf32> to vector<16xf32>
    tpu.vector_store %arg5[%swap3A], %swap3A_3 {strides = array<i32>} : memref<128xf32, #tpu.memory_space<vmem>>, vector<16xf32>,
    %swap3A_4 = arith.constant 16 : index
    %swap3A_5 = tpu.vector_load %arg5[%swap3A_4] {strides = array<i32>} : memref<128xf32, #tpu.memory_space<vmem>>, vector<16xf32>,
    %swap3A_6 = vector.shape_cast %swap3A_5 : vector<16xf32> to vector<16xf32>
    %swap3A_7 = vector.shape_cast %broadcast_in_dim3A_0 : vector<16xf32> to vector<16xf32>
    tpu.vector_store %arg5[%swap3A_4], %swap3A_7 {strides = array<i32>} : memref<128xf32, #tpu.memory_space<vmem>>, vector<16xf32>,
    %swap3A_8 = arith.constant 32 : index
    %swap3A_9 = tpu.vector_load %arg5[%swap3A_8] {strides = array<i32>} : memref<128xf32, #tpu.memory_space<vmem>>, vector<16xf32>,
    %swap3A_10 = vector.shape_cast %swap3A_9 : vector<16xf32> to vector<16xf32>
    %swap3A_11 = vector.shape_cast %broadcast_in_dim3A_0 : vector<16xf32> to vector<16xf32>
    tpu.vector_store %arg5[%swap3A_8], %swap3A_11 {strides = array<i32>} : memref<128xf32, #tpu.memory_space<vmem>>, vector<16xf32>,
    %swap3A_12 = arith.constant 48 : index
    %swap3A_13 = tpu.vector_load %arg5[%swap3A_12] {strides = array<i32>} : memref<128xf32, #tpu.memory_space<vmem>>, vector<16xf32>,
    %swap3A_14 = vector.shape_cast %swap3A_13 : vector<16xf32> to vector<16xf32>
    %swap3A_15 = vector.shape_cast %broadcast_in_dim3A_0 : vector<16xf32> to vector<16xf32>
    tpu.vector_store %arg5[%swap3A_12], %swap3A_15 {strides = array<i32>} : memref<128xf32, #tpu.memory_space<vmem>>, vector<16xf32>,
    %swap3A_16 = arith.constant 64 : index
    %swap3A_17 = tpu.vector_load %arg5[%swap3A_16] {strides = array<i32>} : memref<128xf32, #tpu.memory_space<vmem>>, vector<16xf32>,
    %swap3A_18 = vector.shape_cast %swap3A_17 : vector<16xf32> to vector<16xf32>
    %swap3A_19 = vector.shape_cast %broadcast_in_dim3A_0 : vector<16xf32> to vector<16xf32>
    tpu.vector_store %arg5[%swap3A_16], %swap3A_19 {strides = array<i32>} : memref<128xf32, #tpu.memory_space<vmem>>, vector<16xf32>,
    %swap3A_20 = arith.constant 80 : index
    %swap3A_21 = tpu.vector_load %arg5[%swap3A_20] {strides = array<i32>} : memref<128xf32, #tpu.memory_space<vmem>>, vector<16xf32>,
    %swap3A_22 = vector.shape_cast %swap3A_21 : vector<16xf32> to vector<16xf32>
    %swap3A_23 = vector.shape_cast %broadcast_in_dim3A_0 : vector<16xf32> to vector<16xf32>
    tpu.vector_store %arg5[%swap3A_20], %swap3A_23 {strides = array<i32>} : memref<128xf32, #tpu.memory_space<vmem>>, vector<16xf32>,
    %swap3A_24 = arith.constant 96 : index
    %swap3A_25 = tpu.vector_load %arg5[%swap3A_24] {strides = array<i32>} : memref<128xf32, #tpu.memory_space<vmem>>, vector<16xf32>,
    %swap3A_26 = vector.shape_cast %swap3A_25 : vector<16xf32> to vector<16xf32>
    %swap3A_27 = vector.shape_cast %broadcast_in_dim3A_0 : vector<16xf32> to vector<16xf32>
    tpu.vector_store %arg5[%swap3A_24], %swap3A_27 {strides = array<i32>} : memref<128xf32, #tpu.memory_space<vmem>>, vector<16xf32>,
    %swap3A_28 = arith.constant 112 : index
    %swap3A_29 = tpu.vector_load %arg5[%swap3A_28] {strides = array<i32>} : memref<128xf32, #tpu.memory_space<vmem>>, vector<16xf32>,
    %swap3A_30 = vector.shape_cast %swap3A_29 : vector<16xf32> to vector<16xf32>
    %swap3A_31 = vector.shape_cast %broadcast_in_dim3A_0 : vector<16xf32> to vector<16xf32>
    tpu.vector_store %arg5[%swap3A_28], %swap3A_31 {strides = array<i32>} : memref<128xf32, #tpu.memory_space<vmem>>, vector<16xf32>,
    %broadcast_in_dim3A_32 = arith.constant 0.000000e+00 : f32
    %broadcast_in_dim3A_33 = vector.broadcast %broadcast_in_dim3A_32 : f32 to vector<16xf32>
    %eq3A = arith.constant 0 : i32
    %eq3A_34 = arith.cmpi eq, %arg1, %eq3A : i32
    %convert_element_type3A = arith.extui %eq3A_34 : i1 to i32
    %cond3A = arith.constant 0 : i32
    %cond3A_35 = arith.cmpi ne, %convert_element_type3A, %cond3A : i32
    scf.if %cond3A_35 {
      %scan3A_48 = arith.constant 0 : i32
      %scan3A_49 = arith.constant 0 : i32
      %scan3A_50 = arith.constant 640 : i32
      %scan3A_51 = arith.addi %scan3A_49, %scan3A_50 : i32
      %scan3A_52 = arith.constant 1 : i32
      %scan3A_53 = scf.for %scan3A_55 = %scan3A_49 to %scan3A_51 step %scan3A_52 iter_args(%scan3A_56 = %scan3A_48) -> (i32)  : i32 {
        %mul3A = arith.constant 16 : i32
        %mul3A_57 = arith.muli %scan3A_55, %mul3A : i32
        %swap3A_58 = arith.index_cast %mul3A_57 : i32 to index
        %swap3A_59 = tpu.vector_load %arg6[%swap3A_58] {strides = array<i32>} : memref<10240xf32, #tpu.memory_space<vmem>>, vector<16xf32>,
        %swap3A_60 = vector.shape_cast %swap3A_59 : vector<16xf32> to vector<16xf32>
        %swap3A_61 = vector.shape_cast %broadcast_in_dim3A_33 : vector<16xf32> to vector<16xf32>
        tpu.vector_store %arg6[%swap3A_58], %swap3A_61 {strides = array<i32>} : memref<10240xf32, #tpu.memory_space<vmem>>, vector<16xf32>,
        %scan3A_62 = arith.constant 0 : i32
        scf.yield %scan3A_62 : i32
      }
      %scan3A_54 = arith.constant 640 : i32
      "tpu.region"() ({
        %run_scoped3A = tpu.sem_alloc : memref<!tpu.dma_semaphore, #tpu.memory_space<semaphore_mem>>
        tpu.enqueue_dma source(%arg6 : memref<10240xf32, #tpu.memory_space<vmem>>) target(%arg7 : memref<10240xf32, #tpu.memory_space<vmem_shared>>) target_semaphore(%run_scoped3A : memref<!tpu.dma_semaphore, #tpu.memory_space<semaphore_mem>>)
        tpu.wait_dma2 semaphore(%run_scoped3A : memref<!tpu.dma_semaphore, #tpu.memory_space<semaphore_mem>>) src(%arg6 : memref<10240xf32, #tpu.memory_space<vmem>>) dst(%arg7 : memref<10240xf32, #tpu.memory_space<vmem_shared>>)
        tpu.yield
      }) : () -> ()
    } else {
    }
    %barrier3A = arith.constant 0 : index
    tpu.barrier barrier_id(%barrier3A)
    %scan3A = arith.constant 0 : i32
    %scan3A_36 = arith.constant 0 : i32
    %scan3A_37 = arith.constant 160 : i32
    %scan3A_38 = arith.addi %scan3A_36, %scan3A_37 : i32
    %scan3A_39 = arith.constant 1 : i32
    %scan3A_40 = scf.for %scan3A_48 = %scan3A_36 to %scan3A_38 step %scan3A_39 iter_args(%scan3A_49 = %scan3A) -> (i32)  : i32 {
      "tpu.region"() ({
        %run_scoped3A = tpu.sem_alloc : memref<!tpu.dma_semaphore, #tpu.memory_space<semaphore_mem>>
        %dma_start3A = arith.constant 0 : i32
        %dma_start3A_51 = tpu.memref_slice %arg4[%scan3A_48, %dma_start3A] : memref<160x128xi32, #tpu.memory_space<vmem>> -> memref<1x128xi32, #tpu.memory_space<vmem>>
        %dma_start3A_52 = tpu.memref_squeeze %dma_start3A_51 : memref<1x128xi32, #tpu.memory_space<vmem>> -> memref<128xi32, #tpu.memory_space<vmem>>
        %dma_start3A_53 = arith.constant 0 : i32
        %dma_start3A_54 = tpu.memref_slice %arg7[%dma_start3A_53] : memref<10240xf32, #tpu.memory_space<vmem_shared>> -> memref<10240xf32, #tpu.memory_space<vmem_shared>>
        tpu.enqueue_indirect_dma source(%arg5 : memref<128xf32, #tpu.memory_space<vmem>>) target(%dma_start3A_54 : memref<10240xf32, #tpu.memory_space<vmem_shared>>) offsets(%dma_start3A_52 : memref<128xi32, #tpu.memory_space<vmem>>) semaphore(%run_scoped3A : memref<!tpu.dma_semaphore, #tpu.memory_space<semaphore_mem>>) {add = true}
        %dma_wait3A = arith.constant 0 : i32
        %dma_wait3A_55 = tpu.memref_slice %arg4[%scan3A_48, %dma_wait3A] : memref<160x128xi32, #tpu.memory_space<vmem>> -> memref<1x128xi32, #tpu.memory_space<vmem>>
        %dma_wait3A_56 = tpu.memref_squeeze %dma_wait3A_55 : memref<1x128xi32, #tpu.memory_space<vmem>> -> memref<128xi32, #tpu.memory_space<vmem>>
        %dma_wait3A_57 = arith.constant 0 : i32
        %dma_wait3A_58 = tpu.memref_slice %arg7[%dma_wait3A_57] : memref<10240xf32, #tpu.memory_space<vmem_shared>> -> memref<10240xf32, #tpu.memory_space<vmem_shared>>
        tpu.wait_indirect_dma semaphore(%run_scoped3A : memref<!tpu.dma_semaphore, #tpu.memory_space<semaphore_mem>>) src(%arg5 : memref<128xf32, #tpu.memory_space<vmem>>) dst(%dma_wait3A_58 : memref<10240xf32, #tpu.memory_space<vmem_shared>>)
        tpu.yield
      }) : () -> ()
      %scan3A_50 = arith.constant 0 : i32
      scf.yield %scan3A_50 : i32
    }
    %scan3A_41 = arith.constant 160 : i32
    %barrier3A_42 = arith.constant 0 : index
    tpu.barrier barrier_id(%barrier3A_42)
    %eq3A_43 = arith.constant 0 : i32
    %eq3A_44 = arith.cmpi eq, %arg1, %eq3A_43 : i32
    %convert_element_type3A_45 = arith.extui %eq3A_44 : i1 to i32
    %cond3A_46 = arith.constant 0 : i32
    %cond3A_47 = arith.cmpi ne, %convert_element_type3A_45, %cond3A_46 : i32
    scf.if %cond3A_47 {
      %mul3A = arith.constant 5000 : i32
      %mul3A_48 = arith.muli %arg0, %mul3A : i32
      "tpu.region"() ({
        %run_scoped3A = tpu.sem_alloc : memref<!tpu.dma_semaphore, #tpu.memory_space<semaphore_mem>>
        %dma_start3A = arith.constant 0 : i32
        %dma_start3A_51 = tpu.memref_slice %arg6[%dma_start3A] : memref<10240xf32, #tpu.memory_space<vmem>> -> memref<5000xf32, #tpu.memory_space<vmem>>
        %dma_start3A_52 = tpu.memref_slice %arg7[%mul3A_48] : memref<10240xf32, #tpu.memory_space<vmem_shared>> -> memref<5000xf32, #tpu.memory_space<vmem_shared>>
        %dma_start3A_53 = arith.constant 0 : i32
        %dma_start3A_54 = tpu.memref_slice %arg6[%dma_start3A_53] : memref<10240xf32, #tpu.memory_space<vmem>> -> memref<5000xf32, #tpu.memory_space<vmem>>
        %dma_start3A_55 = tpu.memref_slice %arg7[%mul3A_48] : memref<10240xf32, #tpu.memory_space<vmem_shared>> -> memref<5000xf32, #tpu.memory_space<vmem_shared>>
        tpu.enqueue_dma source(%dma_start3A_55 : memref<5000xf32, #tpu.memory_space<vmem_shared>>) target(%dma_start3A_54 : memref<5000xf32, #tpu.memory_space<vmem>>) target_semaphore(%run_scoped3A : memref<!tpu.dma_semaphore, #tpu.memory_space<semaphore_mem>>)
        %dma_wait3A = arith.constant 0 : i32
        %dma_wait3A_56 = tpu.memref_slice %arg6[%dma_wait3A] : memref<10240xf32, #tpu.memory_space<vmem>> -> memref<5000xf32, #tpu.memory_space<vmem>>
        %dma_wait3A_57 = tpu.memref_slice %arg7[%mul3A_48] : memref<10240xf32, #tpu.memory_space<vmem_shared>> -> memref<5000xf32, #tpu.memory_space<vmem_shared>>
        %dma_wait3A_58 = arith.constant 0 : i32
        %dma_wait3A_59 = tpu.memref_slice %arg6[%dma_wait3A_58] : memref<10240xf32, #tpu.memory_space<vmem>> -> memref<5000xf32, #tpu.memory_space<vmem>>
        %dma_wait3A_60 = tpu.memref_slice %arg7[%mul3A_48] : memref<10240xf32, #tpu.memory_space<vmem_shared>> -> memref<5000xf32, #tpu.memory_space<vmem_shared>>
        tpu.wait_dma2 semaphore(%run_scoped3A : memref<!tpu.dma_semaphore, #tpu.memory_space<semaphore_mem>>) src(%dma_wait3A_60 : memref<5000xf32, #tpu.memory_space<vmem_shared>>) dst(%dma_wait3A_59 : memref<5000xf32, #tpu.memory_space<vmem>>)
        tpu.yield
      }) : () -> ()
      %mul3A_49 = arith.constant 5000 : i32
      %mul3A_50 = arith.muli %arg0, %mul3A_49 : i32
      "tpu.region"() ({
        %run_scoped3A = tpu.sem_alloc : memref<!tpu.dma_semaphore, #tpu.memory_space<semaphore_mem>>
        %dma_start3A = arith.constant 0 : i32
        %dma_start3A_51 = tpu.memref_slice %arg6[%dma_start3A] : memref<10240xf32, #tpu.memory_space<vmem>> -> memref<5000xf32, #tpu.memory_space<vmem>>
        %dma_start3A_52 = tpu.memref_slice %arg3[%mul3A_50] : memref<10000xf32, #tpu.memory_space<hbm>> -> memref<5000xf32, #tpu.memory_space<hbm>>
        %dma_start3A_53 = tpu.memref_slice %arg3[%mul3A_50] : memref<10000xf32, #tpu.memory_space<hbm>> -> memref<5000xf32, #tpu.memory_space<hbm>>
        %dma_start3A_54 = arith.constant 0 : i32
        %dma_start3A_55 = tpu.memref_slice %arg6[%dma_start3A_54] : memref<10240xf32, #tpu.memory_space<vmem>> -> memref<5000xf32, #tpu.memory_space<vmem>>
        tpu.enqueue_dma source(%dma_start3A_55 : memref<5000xf32, #tpu.memory_space<vmem>>) target(%dma_start3A_53 : memref<5000xf32, #tpu.memory_space<hbm>>) target_semaphore(%run_scoped3A : memref<!tpu.dma_semaphore, #tpu.memory_space<semaphore_mem>>)
        %dma_wait3A = arith.constant 0 : i32
        %dma_wait3A_56 = tpu.memref_slice %arg6[%dma_wait3A] : memref<10240xf32, #tpu.memory_space<vmem>> -> memref<5000xf32, #tpu.memory_space<vmem>>
        %dma_wait3A_57 = tpu.memref_slice %arg3[%mul3A_50] : memref<10000xf32, #tpu.memory_space<hbm>> -> memref<5000xf32, #tpu.memory_space<hbm>>
        %dma_wait3A_58 = tpu.memref_slice %arg3[%mul3A_50] : memref<10000xf32, #tpu.memory_space<hbm>> -> memref<5000xf32, #tpu.memory_space<hbm>>
        %dma_wait3A_59 = arith.constant 0 : i32
        %dma_wait3A_60 = tpu.memref_slice %arg6[%dma_wait3A_59] : memref<10240xf32, #tpu.memory_space<vmem>> -> memref<5000xf32, #tpu.memory_space<vmem>>
        tpu.wait_dma2 semaphore(%run_scoped3A : memref<!tpu.dma_semaphore, #tpu.memory_space<semaphore_mem>>) src(%dma_wait3A_60 : memref<5000xf32, #tpu.memory_space<vmem>>) dst(%dma_wait3A_58 : memref<5000xf32, #tpu.memory_space<hbm>>)
        tpu.yield
      }) : () -> ()
    } else {
    }
    return
  }
}

</mosaic_0001>

<sc_bundles>
// kernel: _cnt_call.3.cloned.1.call-start
scs
__scs_entry_jumppad:
0x0: {  	(pc) =	sbr.rel $0x88, $3  }
0x1: {  	(tag) =	ssettag $0x0;
	lr =	simm.s32 $0x1  }
0x2: {  	[smem:$0x3FA0] =	sst lr;
	_ =	strace $0xD0000000  }
0x3: {  	_ = 	snop  }
0x4: {  	_ = 	snop  }
0x5: {  	_ = 	snop  }
0x6: {  	_ = 	snop  }
0x7: {  	_ = 	snop  }
__scs_overlays_trampoline_lowered:
0x8: {  	[smem:$0x3FAF] =	sst s0  }
0x9: {  	[smem:$0x3FB0] =	sst s1  }
0xa: {  	[smem:$0x3FB1] =	sst s2  }
0xb: {  	[smem:$0x3FB2] =	sst s3  }
0xc: {  	[smem:$0x3FB3] =	sst s4  }
0xd: {  	[smem:$0x3FB4] =	sst s5  }
0xe: {  	[smem:$0x3FB5] =	sst s6  }
0xf: {  	[smem:$0x3FB6] =	sst s7  }
0x10: {  	[smem:$0x3FB7] =	sst s8  }
0x11: {  	[smem:$0x3FB8] =	sst s9;
	s0 =	simm.s32 @!p0 $0x0  }
0x12: {  	s1 =	sld [smem:$0x3F9E];
	s0 =	simm.s32 @p0 $0x1  }
0x13: {  	[smem:$0x3FB9] =	sst s0;
	s0 =	simm.s32 @!p1 $0x0  }
0x14: {  	s2 =	sld [smem:$0x3F9D];
	s0 =	simm.s32 @p1 $0x1  }
0x15: {  	[smem:$0x3FBA] =	sst s0;
	s0 =	simm.s32 @!p2 $0x0  }
0x16: {  	s3 =	sld [smem:$0x3FDB];
	s0 =	simm.s32 @p2 $0x1  }
0x17: {  	s4 =	simm.s32 $0x1BF5;
	[smem:$0x3FBC] =	sst s0  }
0x18: {  	s0 =	sld [smem:$0x3F9F];
	_ =	swait.ge [sflag:s4], $0x0  }
0x19: {  	s7 =	sld [smem:$0x3FA0]  }
0x1a: {  	s8 =	sadd.s32 $0xFFFFE003, lr  }
0x1b: {  	s9 =	sadd.s32 $0xFFFFFEF7, lr;
	s5 =	simm.s32 $0xFFFFFFFF;
	p2 =	slt.u32 s8, $0xFFFFF086  }
0x1c: {  	p1 =	slt.u32 s9, $0xF7A;
	s5 =	simm.s32 @!p2 $0x0  }
0x1d: {  	s5 =	simm.s32 @p1 $0x1;
	p0 =	seq.s32 s7, s2  }
0x1e: {  	s7 =	smul.u32 @!p0 $0xF7A, s2;
	p2 =	seq.s32 @!p0 s5, $0x0  }
0x1f: {  	s9 =	smul.u32 $0xF7A, s1;
	s8 =	simm.s32 @!p0 $0x1BF5;
	p2 =	por !p2, p0  }
0x20: {  	[sflag:s8] =	ssyncset.s32 @!p0 $0xFFFFF086;
	s6 =	sadd.s32 @!p0 s3, s7;
	s7 =	simm.s32 @!p0 $0x108  }
0x21: {  	s3 =	sadd.s32 s3, s9;
	s6 =	sadd.s32 @!p0 $0x88, s6;
	s7 =	simm.s32 @p2 $0x1082  }
0x22: {  	[simem:s7], [sflag:s8] =	dma.local @!p0 [hbm:s6], $0xF7A  }
0x23: {  	s9 =	sor.u32 $0xD0000000, s2;
	s6 =	simm.s32 $0x108;
	_ =	swait.ge @!p0 [sflag:s8], $0x0  }
0x24: {  	s3 =	sadd.s32 $0x88, s3;
	s6 =	simm.s32 @!p1 $0x1082;
	[sflag:s4] =	ssyncset.s32 $0xFFFFF086  }
0x25: {  	[simem:s6], [sflag:s4] =	dma.local [hbm:s3], $0xF7A  }
0x26: {  	[smem:$0x3FA0] =	sst s1;
	(tag) =	ssettag s2;
	_ =	strace s9  }
0x27: {  	s1 =	sld [smem:$0x3FB0]  }
0x28: {  	s2 =	sld [smem:$0x3FB1]  }
0x29: {  	s4 =	sld [smem:$0x3FB3]  }
0x2a: {  	p0 =	seq.s32 s5, $0x0;
	s5 =	sld [smem:$0x3FB4]  }
0x2b: {  	s6 =	sld [smem:$0x3FB5]  }
0x2c: {  	s7 =	sld [smem:$0x3FB6]  }
0x2d: {  	s3 =	simm.s32 $0x108;
	s8 =	sld [smem:$0x3FB7]  }
0x2e: {  	s3 =	simm.s32 @!p0 $0x1082;
	s9 =	sld [smem:$0x3FB8]  }
0x2f: {  	lr =	sadd.s32 s0, s3;
	s0 =	sld [smem:$0x3FAF]  }
0x30: {  	s3 =	sld [smem:$0x3FB2]  }
0x31: {  	[smem:$0x3FBB] =	sst s10  }
0x32: {  	s10 =	sld [smem:$0x3FB9];
	_ =	sdelay $0x3  }
0x33: {  	p0 =	seq.s32 s10, $0x1;
	s10 =	sld [smem:$0x3FBB];
	_ =	sdelay $0x3  }
0x34: {  	[smem:$0x3FBB] =	sst s10  }
0x35: {  	s10 =	sld [smem:$0x3FBA];
	_ =	sdelay $0x3  }
0x36: {  	p1 =	seq.s32 s10, $0x1;
	s10 =	sld [smem:$0x3FBB];
	_ =	sdelay $0x3  }
0x37: {  	[smem:$0x3FBB] =	sst s10  }
0x38: {  	s10 =	sld [smem:$0x3FBC]  }
0x39: {  	_ = 	snop;
	(pc) =	sbr.ind lr, $3  }
0x3a: {  	_ = 	snop  }
0x3b: {  	_ = 	snop  }
0x3c: {  	p2 =	seq.s32 s10, $0x1;
	s10 =	sld [smem:$0x3FBB]  }
0x3d: {  	_ =	shalt  }
0x3e: {  	_ =	shalt  }
0x3f: {  	_ =	shalt  }
0x40: {  	_ =	shalt  }
0x41: {  	_ =	shalt  }
0x42: {  	_ =	shalt  }
0x43: {  	_ =	shalt  }
0x44: {  	_ =	shalt  }
0x45: {  	_ =	shalt  }
0x46: {  	_ =	shalt  }
0x47: {  	_ =	shalt  }
0x48: {  	_ =	shalt  }
0x49: {  	_ =	shalt  }
0x4a: {  	_ =	shalt  }
0x4b: {  	_ =	shalt  }
0x4c: {  	_ =	shalt  }
0x4d: {  	_ =	shalt  }
0x4e: {  	_ =	shalt  }
0x4f: {  	_ =	shalt  }
0x50: {  	_ =	shalt  }
0x51: {  	_ =	shalt  }
0x52: {  	_ =	shalt  }
0x53: {  	_ =	shalt  }
0x54: {  	_ =	shalt  }
0x55: {  	_ =	shalt  }
0x56: {  	_ =	shalt  }
0x57: {  	_ =	shalt  }
0x58: {  	_ =	shalt  }
0x59: {  	_ =	shalt  }
0x5a: {  	_ =	shalt  }
0x5b: {  	_ =	shalt  }
0x5c: {  	_ =	shalt  }
0x5d: {  	_ =	shalt  }
0x5e: {  	_ =	shalt  }
0x5f: {  	_ =	shalt  }
0x60: {  	_ =	shalt  }
0x61: {  	_ =	shalt  }
0x62: {  	_ =	shalt  }
0x63: {  	_ =	shalt  }
0x64: {  	_ =	shalt  }
0x65: {  	_ =	shalt  }
0x66: {  	_ =	shalt  }
0x67: {  	_ =	shalt  }
0x68: {  	_ =	shalt  }
0x69: {  	_ =	shalt  }
0x6a: {  	_ =	shalt  }
0x6b: {  	_ =	shalt  }
0x6c: {  	_ =	shalt  }
0x6d: {  	_ =	shalt  }
0x6e: {  	_ =	shalt  }
0x6f: {  	_ =	shalt  }
0x70: {  	_ =	shalt  }
0x71: {  	_ =	shalt  }
0x72: {  	_ =	shalt  }
0x73: {  	_ =	shalt  }
0x74: {  	_ =	shalt  }
0x75: {  	_ =	shalt  }
0x76: {  	_ =	shalt  }
0x77: {  	_ =	shalt  }
0x78: {  	_ =	shalt  }
0x79: {  	_ =	shalt  }
0x7a: {  	_ =	shalt  }
0x7b: {  	_ =	shalt  }
0x7c: {  	_ =	shalt  }
0x7d: {  	_ =	shalt  }
0x7e: {  	_ =	shalt  }
0x7f: {  	_ =	shalt  }
0x80: {  	_ =	shalt  }
0x81: {  	_ =	shalt  }
0x82: {  	_ =	shalt  }
0x83: {  	_ =	shalt  }
0x84: {  	_ =	shalt  }
0x85: {  	_ =	shalt  }
0x86: {  	_ =	shalt  }
0x87: {  	_ =	shalt  }
.Lfunc_end0:
.L_simem_size_0:
called_computation_lowered:
.L_overlay_start_0:
0x88: {  	s2 =	sld [smem:$0x3FD9]  }
0x89: {  	s3 =	sld [smem:$0x3FFE];
	_ =	sdelay $0x1  }
0x8a: {  	s1 =	srdreg.scid  }
0x8b: {  	s0 =	sand.u32 $0x1, s1  }
0x8c: {  	s18 =	sshll.u32 s0, $0xA;
	s2 =	sadd.s32 s3, s2  }
0x8d: {  	s2 =	sadd.s32 s2, s18  }
0x8e: {  	[smem:$0x3FC7] =	sst s2  }
0x8f: {  	_ = 	snop  }
0x90: {  	s2 =	sld [smem:$0x3FC9]  }
0x91: {  	s19 =	sld [smem:$0x3FD0];
	(tm) =	ssettm $0x1  }
0x92: {  	s4 =	sld [smem:$0x3FFB];
	_ =	sdelay $0x3  }
0x93: {  	_ =	strace s4  }
0x94: {  	s4 =	sld [smem:$0x3FFC];
	_ =	sdelay $0x3  }
0x95: {  	_ =	strace s4  }
0x96: {  	s4 =	sld [smem:$0x3FFD];
	_ =	sdelay $0x3  }
0x97: {  	_ =	strace s4  }
0x98: {  	_ =	strace $0x8FFFFFFF  }
0x99: {  	s20 =	sld [smem:$0x3FDB];
	_ =	sdelay $0x1  }
0x9a: {  	s5 =	simm.s32 $_scs_section_size  }
0x9b: {  	s6 =	simm.s32 $_size__tile_overlayer_lowered;
	s7 =	simm.s32 $_tile_overlayer_lowered  }
0x9c: {  	s23 =	simm.s32 $0x1BFF;
	s22 =	sshll.u32 s7, $0x1;
	s4 =	sadd.s32 s5, s20  }
0x9d: {  	s8 =	simm.s32 $0x0;
	s21 =	sshll.u32 s6, $0x1;
	s6 =	sadd.s32 s22, s4  }
0x9e: {  	[timem:s8], [sflag:s23] =	dma.local [hbm:s6], s21  }
0x9f: {  	_ =	swait.ge [sflag:s23], s21  }
0xa0: {  	s5 =	ssub.s32 $0x0, s21;
	[sflag:s23] =	ssyncset.done $0x0  }
0xa1: {  	[sflag:s23] =	ssyncadd.s32 s5;
	_ =	sdelay $0x1  }
0xa2: {  	s24 =	simm.s32 $0x1B8B  }
0xa3: {  	_ =	swait.ge [sflag:s24], $0x1  }
0xa4: {  	[sflag:s24] =	ssyncset.done $0x0  }
0xa5: {  	s25 =	simm.s32 $0x1B8E;
	[sflag:s24] =	ssyncadd.s32 $0xFFFFFFFF  }
0xa6: {  	s26 =	simm.s32 $execute0_lowered;
	[smem:$0x3FD2] =	sst s25  }
0xa7: {  	s5 =	sshll.u32 s26, $0x1;
	_ =	strace $0x80000046;
	[dreg:$0x1] =	wrdreg $0xFFFFFFFF  }
0xa8: {  	s28 =	simm.s32 $_size_execute0_lowered;
	s4 =	sadd.s32 s4, s5;
	[dreg:$0x0] =	wrdreg $0x0  }
0xa9: {  	s5 =	sshll.u32 s28, $0x1;
	[dreg:$0x2] =	wrdreg s4  }
0xaa: {  	[dreg:$0x3] =	wrdreg s5  }
0xab: {  	[dreg:$0x4] =	wrdreg $0xC0  }
0xac: {  	_ =	task [dreg:s8], $0x5FFFF  }
0xad: {  	[dreg:$0x1] =	wrdreg $0xFFFFFFFF  }
0xae: {  	[dreg:$0x0] =	wrdreg $0x60  }
0xaf: {  	[dreg:$0x2] =	wrdreg s2  }
0xb0: {  	[dreg:$0x3] =	wrdreg s19  }
0xb1: {  	[dreg:$0x4] =	wrdreg $0x78800  }
0xb2: {  	[dreg:$0x5] =	wrdreg $0x9  }
0xb3: {  	_ =	task.clear_ibuf [dreg:s8], $0x6FFFF;
	_ =	strace $0x90000046  }
0xb4: {  	s29 =	simm.s32 $0x9;
	_ =	strace $0x80000048  }
0xb5: {  	_ =	swait.ge [sflag:s29], $0x1  }
0xb6: {  	[sflag:s29] =	ssyncadd.s32 $0xFFFFFFFF  }
0xb7: {  	_ =	strace $0x90000048  }
0xb8: {  	_ =	sfence  }
0xb9: {  	s30 =	sld [smem:$0x0];
	_ =	sdelay $0x2  }
0xba: {  	s31 =	sshll.u32 s1, $0xD;
	s1 =	sshrl.u32 s1, $0x2  }
0xbb: {  	s3 =	sand.u32 $0x4000, s31;
	s1 =	sadd.s32 s1, s30  }
0xbc: {  	s0 =	sor.u32 s3, s0;
	s1 =	sshll.u32 s1, $0x11  }
0xbd: {  	s0 =	sor.u32 s1, s0  }
0xbe: {  	s0 =	sadd.s32 $0x8F2B, s0  }
0xbf: {  	[sflag:s0] =	ssyncadd.remote.s32 $0x1  }
0xc0: {  	_ =	sfence.sel $0xFFFF  }
0xc1: {  	[dreg:$0x0] =	wrdreg $0xFFFFFFFF;
	(pc) =	sbr.abs _section_cstart, $3  }
0xc2: {  	[dreg:$0x1] =	wrdreg $0xFFFFFFFF  }
0xc3: {  	_ =	task.clear_ibuf [dreg:s8], $0x2FFFF;
	_ =	strace $0x9FFFFFFF  }
0xc4: {  	(tm) =	ssettm $0x7FFFFFFF  }
0xc5: {  	_ =	shalt  }
tec
execute0_lowered:
.L_overlay_start_1:
0x0: {  	(tag) =	ssettag $0x1  }
0x1: {  	s3 =	rddreg [dreg:$0x0]  }
0x2: {  	s5 =	rddreg [dreg:$0x1]  }
0x3: {  	s1 =	rddreg [dreg:$0x2]  }
0x4: {  	s0 =	rddreg [dreg:$0x3];
	s4 =	srdreg.scid  }
0x5: {  	s7 =	stileid.u32;
	s2 =	simm.s32 $0x0;
	s10 =	simm.s32 $0x5000  }
0x6: {  	s11 =	simm.s32 $0x0;
	s4 =	sand.u32 $0x1, s4;
	s6 =	smul.u32 $0xA00, s7  }
0x7: {  	[smem:$0x7FF] =	sst s2;
	p0 =	sne.s32 s7, $0x0;
	s8 =	ssub.s32 $0x2, s4  }
0x8: {  	s7 =	simm.s32 $0x1;
	s4 =	smul.u32 $0x1388, s4;
	s9 =	sshrl.u32 s8, $0x1  }
0x9: {  	_ =	strace $0x80000047;
	s3 =	sadd.s32 s3, s6;
	s8 =	ssub.s32 s8, s9  }
0xa: {  	s31 =	sshrl.u32 s4, $0x3;
	s4 =	sadd.s32 s4, s1;
	s9 =	simm.s32 $0x80  }
0xb: {  	v0 =	vimm.f32 $1.000000000e+00;
	v1 =	vimm.f32 $0.0e+00;
	s5 =	sadd.s32 s5, s31;
	s6 =	smax.u32 s8, $0x1;
	s8 =	simm.s32 $0x5080  }
.LBB2_1:
0xc: {  	[tilespmem:s2], [sflag:$0x1] =	stream.linear.gather [hbm4b:s3+s2], $0x5000, $0x38;
	[tilespmem:$0x7B00] =	vst v63  }
0xd: {  	_ =	swait.ge [sflag:s7], $0x5000  }
0xe: {  	[sflag:s7] =	ssyncset.done $0x0  }
0xf: {  	[sflag:s7] =	ssyncadd.s32 $0xFFFFB000  }
0x10: {  	[tilespmem:$0x5000] =	vst v0  }
0x11: {  	[tilespmem:$0x5010] =	vst v0  }
0x12: {  	[tilespmem:$0x5020] =	vst v0  }
.Ltmp0:
0x13: {  	[tilespmem:$0x5030] =	vst v0;
	(pc) =	sbr.rel @p0 .LBB2_5-.Ltmp0, $4  }
0x14: {  	[tilespmem:$0x5040] =	vst v0  }
0x15: {  	[tilespmem:$0x5050] =	vst v0  }
0x16: {  	[tilespmem:$0x5060] =	vst v0  }
0x17: {  	[tilespmem:$0x5070] =	vst v0  }
0x18: {  	s12 =	simm.s32 $0x40;
	s13 =	simm.s32 $0x0  }
.LBB2_3:
0x19: {  	p1 =	sne.s32 s12, $0x9FC0;
	[tilespmem:s13+$0x5080] =	vst v1;
	s13 =	smov.u32 s12;
	s12 =	sadd.s32 $0x40, s12  }
.Ltmp1:
0x1a: {  	(pc) =	sbr.rel @p1 .LBB2_3-.Ltmp1, $2  }
0x1b: {  	_ =	sdelay $0x2  }
0x1c: {  	s13 =	sshra.s32 s13, $0x2  }
0x1d: {  	[tilespmem:s13+$0x5080] =	vst v1  }
0x1e: {  	[spmem:s1] =	stream.linear.scatter [tilespmem:s8], [sflag:$0x1], $0x2800, $0x38;
	[tilespmem:$0x7B00] =	vst v63  }
0x1f: {  	_ =	swait.ge [sflag:s7], $0x2800  }
0x20: {  	[sflag:s7] =	ssyncset.done $0x0  }
0x21: {  	[sflag:s7] =	ssyncadd.s32 $0xFFFFD800  }
.LBB2_5:
0x22: {  	[bflag:$0x0] =	sbarrier.arrive $0xFFFF;
	s12 =	simm.s32 $0x0  }
0x23: {  	[spmem:s1] =	stream.indirect.scatter.add.f32 [tilespmem:s10], [sflag:$0x1], $0x1, s12, s9, $0xb8;
	[tilespmem:$0x7B00] =	vst v63  }
0x24: {  	_ =	swait.ge [sflag:s7], $0x80  }
0x25: {  	s12 =	simm.s32 $0x200;
	[sflag:s7] =	ssyncset.done $0x0  }
.LBB2_6:
0x26: {  	s13 =	sshra.s32 s12, $0x2;
	[sflag:s7] =	ssyncadd.s32 $0xFFFFFF80;
	p1 =	sne.s32 s12, $0x13E00  }
0x27: {  	[spmem:s1] =	stream.indirect.scatter.add.f32 [tilespmem:s10], [sflag:$0x1], $0x1, s13, s9, $0xb8;
	[tilespmem:$0x7B00] =	vst v63  }
.Ltmp2:
0x28: {  	_ = 	snop;
	(pc) =	sbr.rel @p1 .LBB2_6-.Ltmp2, $4  }
0x29: {  	_ = 	snop  }
0x2a: {  	s12 =	sadd.s32 $0x200, s12  }
0x2b: {  	_ =	swait.ge [sflag:s7], $0x80  }
0x2c: {  	[sflag:s7] =	ssyncset.done $0x0  }
0x2d: {  	[sflag:s7] =	ssyncadd.s32 $0xFFFFFF80  }
0x2e: {  	s12 =	simm.s32 @!p0 $0x5080;
	s13 =	simm.s32 @!p0 $0x1;
	[bflag:$0x0] =	sbarrier.arrive $0xFFFF  }
0x2f: {  	[tilespmem:s12], [sflag:$0x1] =	stream.linear.gather @!p0 [spmem:s4], $0x1388, $0x38;
	[tilespmem:$0x7B00] =	vst v63  }
0x30: {  	s11 =	sadd.s32 $0x1, s11;
	_ =	swait.ge @!p0 [sflag:s13], $0x1388  }
0x31: {  	p1 =	sne.s32 s11, s6;
	[sflag:s13] =	ssyncset.done @!p0 $0x0  }
.Ltmp3:
0x32: {  	s14 =	simm.s32 @!p0 $0x0;
	[sflag:s13] =	ssyncadd.s32 @!p0 $0xFFFFEC78;
	(pc) =	sbr.rel @p1 .LBB2_1-.Ltmp3, $4  }
0x33: {  	[hbm4b:s5+s14] =	stream.linear.scatter @!p0 [tilespmem:s12], [sflag:$0x1], $0x1388, $0x38;
	[tilespmem:$0x7B00] =	vst v63  }
0x34: {  	_ =	swait.ge @!p0 [sflag:s13], $0x1388  }
0x35: {  	[sflag:s13] =	ssyncset.done @!p0 $0x0  }
0x36: {  	[sflag:s13] =	ssyncadd.s32 @!p0 $0xFFFFEC78  }
0x37: {  	_ =	sfence.sel $0x180000  }
0x38: {  	[bflag:$0x0] =	sbarrier.arrive $0xFFFF  }
0x39: {  	_ =	strace $0x90000047  }
0x3a: {  	s0 =	sadd.s32 @!p0 $0x100000, s0;
	[bflag:$0x2] =	sbarrier.arrive $0xFFFF  }
0x3b: {  	[sflag:s0] =	ssyncadd.tile.s32 @!p0 $0x1;
	_ =	shalt  }
.Lfunc_end2:
_tile_overlayer_lowered:
.L_overlay_start_2:
0x3c: {  	(tag) =	ssettag $0x2  }
0x3d: {  	s0 =	rddreg [dreg:$0x0];
	s2 =	stileid.u32  }
0x3e: {  	s1 =	rddreg [dreg:$0x1];
	p0 =	sne.s32 s2, $0x0  }
0x3f: {  	s3 =	rddreg [dreg:$0x2];
	[bflag:$0x3] =	sbarrier.arrive $0xFFFF;
	s2 =	simm.s32 @!p0 $0x1C01  }
0x40: {  	[timem:s3], [sflag:s2] =	dma.local @!p0 [hbm:s0], s1  }
0x41: {  	s0 =	simm.s32 @!p0 $0x1  }
0x42: {  	_ =	swait.ge @!p0 [sflag:s0], s1  }
0x43: {  	s1 =	ssub.s32 @!p0 $0x0, s1;
	[sflag:s0] =	ssyncset.done @!p0 $0x0  }
0x44: {  	[sflag:s0] =	ssyncadd.s32 @!p0 s1  }
0x45: {  	[bflag:$0x3] =	sbarrier.arrive $0xFFFF  }
0x46: {  	_ =	shalt  }

</sc_bundles>
